<compile_context>
chip_gen: v7x
topology: tpu7x:2x2x1
jax: 0.10.2.dev20260603
libtpu: 0.0.44.dev20260713+nightly
codegen_flags: <defaults>
</compile_context>

<pallas_src>
import functools

import jax
import jax.numpy as jnp
from jax import lax
from jax.experimental import pallas as pl
from jax.experimental.pallas import tpu as pltpu
from jax.experimental.pallas import tpu_sc as plsc

BATCH = 16384
LANES = 16


def _irt_formula(th, a, b, c):
    cs = 1.0 / (1.0 + jnp.exp(-c))
    t = jnp.exp(-jnp.abs(a))
    z = t / (2.0 + t)
    z2 = z * z
    log1p_t = 2.0 * z * (1.0 + z2 * (1.0 / 3.0 + z2 * (
        1.0 / 5.0 + z2 * (1.0 / 7.0 + z2 * (1.0 / 9.0)))))
    sp = jnp.maximum(a, 0.0) + log1p_t
    e = jnp.exp(-1.702 * sp * (th - b))
    return cs + (1.0 - cs) / (1.0 + e)


def _make_sc_kernel(bpw, n_cores):
    mesh = plsc.VectorSubcoreMesh(core_axis_name="c", subcore_axis_name="s")

    @functools.partial(
        pl.kernel,
        mesh=mesh,
        out_type=jax.ShapeDtypeStruct((BATCH,), jnp.float32),
        scratch_types=[
            pltpu.VMEM((bpw,), jnp.int32),
            pltpu.VMEM((bpw,), jnp.int32),
            pltpu.VMEM((bpw,), jnp.float32),
            pltpu.VMEM((bpw,), jnp.float32),
            pltpu.VMEM((bpw,), jnp.float32),
            pltpu.VMEM((bpw,), jnp.float32),
            pltpu.VMEM((bpw,), jnp.float32),
            pltpu.SemaphoreType.DMA,
            pltpu.SemaphoreType.DMA,
            pltpu.SemaphoreType.DMA,
            pltpu.SemaphoreType.DMA,
            pltpu.SemaphoreType.DMA,
            pltpu.SemaphoreType.DMA,
        ],
    )
    def sc_kernel(sid_hbm, eid_hbm, th_hbm, a_hbm, b_hbm, c_hbm, out_hbm,
                  sidx_v, eidx_v, th_v, a_v, b_v, c_v, out_v,
                  sem0, sem1, sem2, sem3, sem4, sem5):
        wid = lax.axis_index("s") * n_cores + lax.axis_index("c")
        base = wid * bpw
        th_t = th_hbm.at[0]
        a_t = a_hbm.at[0]
        b_t = b_hbm.at[0]
        c_t = c_hbm.at[0]
        i0 = pltpu.async_copy(sid_hbm.at[pl.ds(base, bpw)], sidx_v, sem4)
        i1 = pltpu.async_copy(eid_hbm.at[pl.ds(base, bpw)], eidx_v, sem5)
        i1.wait()
        g1 = pltpu.async_copy(a_t.at[eidx_v], a_v, sem1)
        g2 = pltpu.async_copy(b_t.at[eidx_v], b_v, sem2)
        g3 = pltpu.async_copy(c_t.at[eidx_v], c_v, sem3)
        i0.wait()
        g0 = pltpu.async_copy(th_t.at[sidx_v], th_v, sem0)
        g1.wait()
        g2.wait()
        g3.wait()
        g0.wait()

        def step(i, _):
            sl = pl.ds(i * LANES, LANES)
            out_v[sl] = _irt_formula(th_v[sl], a_v[sl], b_v[sl], c_v[sl])
            return _

        lax.fori_loop(0, bpw // LANES, step, None, unroll=4)
        pltpu.sync_copy(out_v, out_hbm.at[pl.ds(base, bpw)])

    return sc_kernel


def kernel(student_id, exercise_id, theta_table, a_table, b_table, c_table):
    info = plsc.get_sparse_core_info()
    n_workers = info.num_cores * info.num_subcores
    bpw = BATCH // n_workers
    sc_kernel = _make_sc_kernel(bpw, info.num_cores)
    return sc_kernel(
        student_id.astype(jnp.int32),
        exercise_id.astype(jnp.int32),
        theta_table.T,
        a_table.T,
        b_table.T,
        c_table.T,
    )

# --- scband reference (transcript-rebuilt; emitter-appended) ---
"""Pipeline reference for scband-irt-72559177498700 (READ-ONLY COPY).

The authoritative reference and input builder live on the scoring server;
editing this copy changes nothing except your own understanding.
"""

import jax, jax.numpy as jnp
import numpy as np

STUDENT_NUM = 1000000
EXERCISE_NUM = 100000
BATCH = 16384

def setup_inputs(seed: int = 0) -> dict:
    key = jax.random.key(seed)
    k1, k2, k3, k4, k5, k6 = jax.random.split(key, 6)
    student_id = jax.random.randint(k1, (BATCH,), 0, STUDENT_NUM, dtype=jnp.int64 if jax.config.jax_enable_x64 else jnp.int32)
    exercise_id = jax.random.randint(k2, (BATCH,), 0, EXERCISE_NUM, dtype=jnp.int64 if jax.config.jax_enable_x64 else jnp.int32)
    theta_table = jax.random.normal(k3, (STUDENT_NUM, 1), dtype=jnp.float32)
    a_table = jax.random.normal(k4, (EXERCISE_NUM, 1), dtype=jnp.float32)
    b_table = jax.random.normal(k5, (EXERCISE_NUM, 1), dtype=jnp.float32)
    c_table = jax.random.normal(k6, (EXERCISE_NUM, 1), dtype=jnp.float32)
    return {"student_id": student_id, "exercise_id": exercise_id,
            "theta_table": theta_table, "a_table": a_table,
            "b_table": b_table, "c_table": c_table}

def reference(student_id, exercise_id, theta_table, a_table, b_table, c_table):
    theta = jnp.take(theta_table, student_id, axis=0).squeeze(-1)
    a = jnp.take(a_table, exercise_id, axis=0).squeeze(-1)
    b = jnp.take(b_table, exercise_id, axis=0).squeeze(-1)
    c = jnp.take(c_table, exercise_id, axis=0).squeeze(-1)
    c = jax.nn.sigmoid(c)
    a = jax.nn.softplus(a)
    D = 1.702
    return c + (1.0 - c) / (1.0 + jnp.exp(-D * a * (theta - b)))

if __name__ == "__main__":
    import jax
    _d = setup_inputs()
    print(jax.jit(kernel)(*tuple(_d.values())))

</pallas_src>

<mosaic_0001>
#map = affine_map<(d0, d1) -> (0)>
#map1 = affine_map<(d0, d1) -> (0, 0)>
module attributes {stable_mosaic.version = 14 : i64} {
  func.func @sc_kernel(%arg0: i32, %arg1: i32, %arg2: memref<16384xi32, #tpu.memory_space<hbm>>, %arg3: memref<16384xi32, #tpu.memory_space<hbm>>, %arg4: memref<1x1000000xf32, #tpu.memory_space<hbm>>, %arg5: memref<1x100000xf32, #tpu.memory_space<hbm>>, %arg6: memref<1x100000xf32, #tpu.memory_space<hbm>>, %arg7: memref<1x100000xf32, #tpu.memory_space<hbm>>, %arg8: memref<16384xf32, #tpu.memory_space<hbm>>, %arg9: memref<512xi32, #tpu.memory_space<vmem>>, %arg10: memref<512xi32, #tpu.memory_space<vmem>>, %arg11: memref<512xf32, #tpu.memory_space<vmem>>, %arg12: memref<512xf32, #tpu.memory_space<vmem>>, %arg13: memref<512xf32, #tpu.memory_space<vmem>>, %arg14: memref<512xf32, #tpu.memory_space<vmem>>, %arg15: memref<512xf32, #tpu.memory_space<vmem>>, %arg16: memref<!tpu.dma_semaphore, #tpu.memory_space<semaphore_mem>>, %arg17: memref<!tpu.dma_semaphore, #tpu.memory_space<semaphore_mem>>, %arg18: memref<!tpu.dma_semaphore, #tpu.memory_space<semaphore_mem>>, %arg19: memref<!tpu.dma_semaphore, #tpu.memory_space<semaphore_mem>>, %arg20: memref<!tpu.dma_semaphore, #tpu.memory_space<semaphore_mem>>, %arg21: memref<!tpu.dma_semaphore, #tpu.memory_space<semaphore_mem>>) attributes {dimension_semantics = [#tpu.dimension_semantics<core_parallel>, #tpu.dimension_semantics<subcore_parallel>], iteration_bounds = array<i64: 2, 16>, scalar_prefetch = 0 : i64, scratch_operands = 13 : i64, tpu.core_type = #tpu.core_type<sc_vector_subcore>, window_params = [{transform_indices = #map}, {transform_indices = #map}, {transform_indices = #map1}, {transform_indices = #map1}, {transform_indices = #map1}, {transform_indices = #map1}, {transform_indices = #map}]} {
    %mul3A = arith.constant 2 : i32
    %mul3A_0 = arith.muli %arg1, %mul3A : i32
    %add3A = arith.addi %mul3A_0, %arg0 : i32
    %mul3A_1 = arith.constant 512 : i32
    %mul3A_2 = arith.muli %add3A, %mul3A_1 : i32
    %dma_start3A = tpu.memref_slice %arg2[%mul3A_2] : memref<16384xi32, #tpu.memory_space<hbm>> -> memref<512xi32, #tpu.memory_space<hbm>>
    %dma_start3A_3 = tpu.memref_slice %arg2[%mul3A_2] : memref<16384xi32, #tpu.memory_space<hbm>> -> memref<512xi32, #tpu.memory_space<hbm>>
    tpu.enqueue_dma source(%dma_start3A_3 : memref<512xi32, #tpu.memory_space<hbm>>) target(%arg9 : memref<512xi32, #tpu.memory_space<vmem>>) target_semaphore(%arg20 : memref<!tpu.dma_semaphore, #tpu.memory_space<semaphore_mem>>)
    %dma_start3A_4 = tpu.memref_slice %arg3[%mul3A_2] : memref<16384xi32, #tpu.memory_space<hbm>> -> memref<512xi32, #tpu.memory_space<hbm>>
    %dma_start3A_5 = tpu.memref_slice %arg3[%mul3A_2] : memref<16384xi32, #tpu.memory_space<hbm>> -> memref<512xi32, #tpu.memory_space<hbm>>
    tpu.enqueue_dma source(%dma_start3A_5 : memref<512xi32, #tpu.memory_space<hbm>>) target(%arg10 : memref<512xi32, #tpu.memory_space<vmem>>) target_semaphore(%arg21 : memref<!tpu.dma_semaphore, #tpu.memory_space<semaphore_mem>>)
    %dma_wait3A = tpu.memref_slice %arg3[%mul3A_2] : memref<16384xi32, #tpu.memory_space<hbm>> -> memref<512xi32, #tpu.memory_space<hbm>>
    %dma_wait3A_6 = tpu.memref_slice %arg3[%mul3A_2] : memref<16384xi32, #tpu.memory_space<hbm>> -> memref<512xi32, #tpu.memory_space<hbm>>
    tpu.wait_dma2 semaphore(%arg21 : memref<!tpu.dma_semaphore, #tpu.memory_space<semaphore_mem>>) src(%dma_wait3A_6 : memref<512xi32, #tpu.memory_space<hbm>>) dst(%arg10 : memref<512xi32, #tpu.memory_space<vmem>>)
    %dma_start3A_7 = arith.constant 0 : i32
    %dma_start3A_8 = arith.constant 0 : i32
    %dma_start3A_9 = tpu.memref_slice %arg5[%dma_start3A_7, %dma_start3A_8] : memref<1x100000xf32, #tpu.memory_space<hbm>> -> memref<1x100000xf32, #tpu.memory_space<hbm>>
    %dma_start3A_10 = tpu.memref_squeeze %dma_start3A_9 : memref<1x100000xf32, #tpu.memory_space<hbm>> -> memref<100000xf32, #tpu.memory_space<hbm>>
    %dma_start3A_11 = arith.constant 0 : i32
    %dma_start3A_12 = tpu.memref_slice %dma_start3A_10[%dma_start3A_11] : memref<100000xf32, #tpu.memory_space<hbm>> -> memref<100000xf32, #tpu.memory_space<hbm>>
    tpu.enqueue_indirect_dma source(%dma_start3A_12 : memref<100000xf32, #tpu.memory_space<hbm>>) target(%arg12 : memref<512xf32, #tpu.memory_space<vmem>>) offsets(%arg10 : memref<512xi32, #tpu.memory_space<vmem>>) semaphore(%arg17 : memref<!tpu.dma_semaphore, #tpu.memory_space<semaphore_mem>>)
    %dma_start3A_13 = arith.constant 0 : i32
    %dma_start3A_14 = arith.constant 0 : i32
    %dma_start3A_15 = tpu.memref_slice %arg6[%dma_start3A_13, %dma_start3A_14] : memref<1x100000xf32, #tpu.memory_space<hbm>> -> memref<1x100000xf32, #tpu.memory_space<hbm>>
    %dma_start3A_16 = tpu.memref_squeeze %dma_start3A_15 : memref<1x100000xf32, #tpu.memory_space<hbm>> -> memref<100000xf32, #tpu.memory_space<hbm>>
    %dma_start3A_17 = arith.constant 0 : i32
    %dma_start3A_18 = tpu.memref_slice %dma_start3A_16[%dma_start3A_17] : memref<100000xf32, #tpu.memory_space<hbm>> -> memref<100000xf32, #tpu.memory_space<hbm>>
    tpu.enqueue_indirect_dma source(%dma_start3A_18 : memref<100000xf32, #tpu.memory_space<hbm>>) target(%arg13 : memref<512xf32, #tpu.memory_space<vmem>>) offsets(%arg10 : memref<512xi32, #tpu.memory_space<vmem>>) semaphore(%arg18 : memref<!tpu.dma_semaphore, #tpu.memory_space<semaphore_mem>>)
    %dma_start3A_19 = arith.constant 0 : i32
    %dma_start3A_20 = arith.constant 0 : i32
    %dma_start3A_21 = tpu.memref_slice %arg7[%dma_start3A_19, %dma_start3A_20] : memref<1x100000xf32, #tpu.memory_space<hbm>> -> memref<1x100000xf32, #tpu.memory_space<hbm>>
    %dma_start3A_22 = tpu.memref_squeeze %dma_start3A_21 : memref<1x100000xf32, #tpu.memory_space<hbm>> -> memref<100000xf32, #tpu.memory_space<hbm>>
    %dma_start3A_23 = arith.constant 0 : i32
    %dma_start3A_24 = tpu.memref_slice %dma_start3A_22[%dma_start3A_23] : memref<100000xf32, #tpu.memory_space<hbm>> -> memref<100000xf32, #tpu.memory_space<hbm>>
    tpu.enqueue_indirect_dma source(%dma_start3A_24 : memref<100000xf32, #tpu.memory_space<hbm>>) target(%arg14 : memref<512xf32, #tpu.memory_space<vmem>>) offsets(%arg10 : memref<512xi32, #tpu.memory_space<vmem>>) semaphore(%arg19 : memref<!tpu.dma_semaphore, #tpu.memory_space<semaphore_mem>>)
    %dma_wait3A_25 = tpu.memref_slice %arg2[%mul3A_2] : memref<16384xi32, #tpu.memory_space<hbm>> -> memref<512xi32, #tpu.memory_space<hbm>>
    %dma_wait3A_26 = tpu.memref_slice %arg2[%mul3A_2] : memref<16384xi32, #tpu.memory_space<hbm>> -> memref<512xi32, #tpu.memory_space<hbm>>
    tpu.wait_dma2 semaphore(%arg20 : memref<!tpu.dma_semaphore, #tpu.memory_space<semaphore_mem>>) src(%dma_wait3A_26 : memref<512xi32, #tpu.memory_space<hbm>>) dst(%arg9 : memref<512xi32, #tpu.memory_space<vmem>>)
    %dma_start3A_27 = arith.constant 0 : i32
    %dma_start3A_28 = arith.constant 0 : i32
    %dma_start3A_29 = tpu.memref_slice %arg4[%dma_start3A_27, %dma_start3A_28] : memref<1x1000000xf32, #tpu.memory_space<hbm>> -> memref<1x1000000xf32, #tpu.memory_space<hbm>>
    %dma_start3A_30 = tpu.memref_squeeze %dma_start3A_29 : memref<1x1000000xf32, #tpu.memory_space<hbm>> -> memref<1000000xf32, #tpu.memory_space<hbm>>
    %dma_start3A_31 = arith.constant 0 : i32
    %dma_start3A_32 = tpu.memref_slice %dma_start3A_30[%dma_start3A_31] : memref<1000000xf32, #tpu.memory_space<hbm>> -> memref<1000000xf32, #tpu.memory_space<hbm>>
    tpu.enqueue_indirect_dma source(%dma_start3A_32 : memref<1000000xf32, #tpu.memory_space<hbm>>) target(%arg11 : memref<512xf32, #tpu.memory_space<vmem>>) offsets(%arg9 : memref<512xi32, #tpu.memory_space<vmem>>) semaphore(%arg16 : memref<!tpu.dma_semaphore, #tpu.memory_space<semaphore_mem>>)
    %dma_wait3A_33 = arith.constant 0 : i32
    %dma_wait3A_34 = arith.constant 0 : i32
    %dma_wait3A_35 = tpu.memref_slice %arg5[%dma_wait3A_33, %dma_wait3A_34] : memref<1x100000xf32, #tpu.memory_space<hbm>> -> memref<1x100000xf32, #tpu.memory_space<hbm>>
    %dma_wait3A_36 = tpu.memref_squeeze %dma_wait3A_35 : memref<1x100000xf32, #tpu.memory_space<hbm>> -> memref<100000xf32, #tpu.memory_space<hbm>>
    %dma_wait3A_37 = arith.constant 0 : i32
    %dma_wait3A_38 = tpu.memref_slice %dma_wait3A_36[%dma_wait3A_37] : memref<100000xf32, #tpu.memory_space<hbm>> -> memref<100000xf32, #tpu.memory_space<hbm>>
    tpu.wait_indirect_dma semaphore(%arg17 : memref<!tpu.dma_semaphore, #tpu.memory_space<semaphore_mem>>) src(%dma_wait3A_38 : memref<100000xf32, #tpu.memory_space<hbm>>) dst(%arg12 : memref<512xf32, #tpu.memory_space<vmem>>)
    %dma_wait3A_39 = arith.constant 0 : i32
    %dma_wait3A_40 = arith.constant 0 : i32
    %dma_wait3A_41 = tpu.memref_slice %arg6[%dma_wait3A_39, %dma_wait3A_40] : memref<1x100000xf32, #tpu.memory_space<hbm>> -> memref<1x100000xf32, #tpu.memory_space<hbm>>
    %dma_wait3A_42 = tpu.memref_squeeze %dma_wait3A_41 : memref<1x100000xf32, #tpu.memory_space<hbm>> -> memref<100000xf32, #tpu.memory_space<hbm>>
    %dma_wait3A_43 = arith.constant 0 : i32
    %dma_wait3A_44 = tpu.memref_slice %dma_wait3A_42[%dma_wait3A_43] : memref<100000xf32, #tpu.memory_space<hbm>> -> memref<100000xf32, #tpu.memory_space<hbm>>
    tpu.wait_indirect_dma semaphore(%arg18 : memref<!tpu.dma_semaphore, #tpu.memory_space<semaphore_mem>>) src(%dma_wait3A_44 : memref<100000xf32, #tpu.memory_space<hbm>>) dst(%arg13 : memref<512xf32, #tpu.memory_space<vmem>>)
    %dma_wait3A_45 = arith.constant 0 : i32
    %dma_wait3A_46 = arith.constant 0 : i32
    %dma_wait3A_47 = tpu.memref_slice %arg7[%dma_wait3A_45, %dma_wait3A_46] : memref<1x100000xf32, #tpu.memory_space<hbm>> -> memref<1x100000xf32, #tpu.memory_space<hbm>>
    %dma_wait3A_48 = tpu.memref_squeeze %dma_wait3A_47 : memref<1x100000xf32, #tpu.memory_space<hbm>> -> memref<100000xf32, #tpu.memory_space<hbm>>
    %dma_wait3A_49 = arith.constant 0 : i32
    %dma_wait3A_50 = tpu.memref_slice %dma_wait3A_48[%dma_wait3A_49] : memref<100000xf32, #tpu.memory_space<hbm>> -> memref<100000xf32, #tpu.memory_space<hbm>>
    tpu.wait_indirect_dma semaphore(%arg19 : memref<!tpu.dma_semaphore, #tpu.memory_space<semaphore_mem>>) src(%dma_wait3A_50 : memref<100000xf32, #tpu.memory_space<hbm>>) dst(%arg14 : memref<512xf32, #tpu.memory_space<vmem>>)
    %dma_wait3A_51 = arith.constant 0 : i32
    %dma_wait3A_52 = arith.constant 0 : i32
    %dma_wait3A_53 = tpu.memref_slice %arg4[%dma_wait3A_51, %dma_wait3A_52] : memref<1x1000000xf32, #tpu.memory_space<hbm>> -> memref<1x1000000xf32, #tpu.memory_space<hbm>>
    %dma_wait3A_54 = tpu.memref_squeeze %dma_wait3A_53 : memref<1x1000000xf32, #tpu.memory_space<hbm>> -> memref<1000000xf32, #tpu.memory_space<hbm>>
    %dma_wait3A_55 = arith.constant 0 : i32
    %dma_wait3A_56 = tpu.memref_slice %dma_wait3A_54[%dma_wait3A_55] : memref<1000000xf32, #tpu.memory_space<hbm>> -> memref<1000000xf32, #tpu.memory_space<hbm>>
    tpu.wait_indirect_dma semaphore(%arg16 : memref<!tpu.dma_semaphore, #tpu.memory_space<semaphore_mem>>) src(%dma_wait3A_56 : memref<1000000xf32, #tpu.memory_space<hbm>>) dst(%arg11 : memref<512xf32, #tpu.memory_space<vmem>>)
    %scan3A = arith.constant 0 : i32
    %scan3A_57 = arith.constant 32 : i32
    %scan3A_58 = arith.addi %scan3A, %scan3A_57 : i32
    %scan3A_59 = arith.constant 4 : i32
    scf.for %scan3A_61 = %scan3A to %scan3A_58 step %scan3A_59  : i32 {
      %mul3A_62 = arith.constant 16 : i32
      %mul3A_63 = arith.muli %scan3A_61, %mul3A_62 : i32
      %get3A = arith.index_cast %mul3A_63 : i32 to index
      %get3A_64 = tpu.vector_load %arg11[%get3A] {strides = array<i32>} : memref<512xf32, #tpu.memory_space<vmem>>, vector<16xf32>,
      %get3A_65 = vector.shape_cast %get3A_64 : vector<16xf32> to vector<16xf32>
      %get3A_66 = arith.index_cast %mul3A_63 : i32 to index
      %get3A_67 = tpu.vector_load %arg12[%get3A_66] {strides = array<i32>} : memref<512xf32, #tpu.memory_space<vmem>>, vector<16xf32>,
      %get3A_68 = vector.shape_cast %get3A_67 : vector<16xf32> to vector<16xf32>
      %get3A_69 = arith.index_cast %mul3A_63 : i32 to index
      %get3A_70 = tpu.vector_load %arg13[%get3A_69] {strides = array<i32>} : memref<512xf32, #tpu.memory_space<vmem>>, vector<16xf32>,
      %get3A_71 = vector.shape_cast %get3A_70 : vector<16xf32> to vector<16xf32>
      %get3A_72 = arith.index_cast %mul3A_63 : i32 to index
      %get3A_73 = tpu.vector_load %arg14[%get3A_72] {strides = array<i32>} : memref<512xf32, #tpu.memory_space<vmem>>, vector<16xf32>,
      %get3A_74 = vector.shape_cast %get3A_73 : vector<16xf32> to vector<16xf32>
      %neg3A = arith.constant 0.000000e+00 : f32
      %neg3A_75 = vector.broadcast %neg3A : f32 to vector<16xf32>
      %neg3A_76 = arith.subf %neg3A_75, %get3A_74 : vector<16xf32>
      %exp3A = math.exp %neg3A_76 : vector<16xf32>
      %add3A_77 = arith.constant 1.000000e+00 : f32
      %add3A_78 = vector.broadcast %add3A_77 : f32 to vector<16xf32>
      %add3A_79 = arith.addf %add3A_78, %exp3A : vector<16xf32>
      %div3A = arith.constant 1.000000e+00 : f32
      %div3A_80 = vector.broadcast %div3A : f32 to vector<16xf32>
      %div3A_81 = arith.divf %div3A_80, %add3A_79 : vector<16xf32>
      %abs3A = math.absf %get3A_68 : vector<16xf32>
      %neg3A_82 = arith.constant 0.000000e+00 : f32
      %neg3A_83 = vector.broadcast %neg3A_82 : f32 to vector<16xf32>
      %neg3A_84 = arith.subf %neg3A_83, %abs3A : vector<16xf32>
      %exp3A_85 = math.exp %neg3A_84 : vector<16xf32>
      %add3A_86 = arith.constant 2.000000e+00 : f32
      %add3A_87 = vector.broadcast %add3A_86 : f32 to vector<16xf32>
      %add3A_88 = arith.addf %add3A_87, %exp3A_85 : vector<16xf32>
      %div3A_89 = arith.divf %exp3A_85, %add3A_88 : vector<16xf32>
      %mul3A_90 = arith.mulf %div3A_89, %div3A_89 : vector<16xf32>
      %mul3A_91 = arith.constant 2.000000e+00 : f32
      %mul3A_92 = vector.broadcast %mul3A_91 : f32 to vector<16xf32>
      %mul3A_93 = arith.mulf %mul3A_92, %div3A_89 : vector<16xf32>
      %mul3A_94 = arith.constant 0.111111112 : f32
      %mul3A_95 = vector.broadcast %mul3A_94 : f32 to vector<16xf32>
      %mul3A_96 = arith.mulf %mul3A_90, %mul3A_95 : vector<16xf32>
      %add3A_97 = arith.constant 0.142857149 : f32
      %add3A_98 = vector.broadcast %add3A_97 : f32 to vector<16xf32>
      %add3A_99 = arith.addf %add3A_98, %mul3A_96 : vector<16xf32>
      %mul3A_100 = arith.mulf %mul3A_90, %add3A_99 : vector<16xf32>
      %add3A_101 = arith.constant 2.000000e-01 : f32
      %add3A_102 = vector.broadcast %add3A_101 : f32 to vector<16xf32>
      %add3A_103 = arith.addf %add3A_102, %mul3A_100 : vector<16xf32>
      %mul3A_104 = arith.mulf %mul3A_90, %add3A_103 : vector<16xf32>
      %add3A_105 = arith.constant 0.333333343 : f32
      %add3A_106 = vector.broadcast %add3A_105 : f32 to vector<16xf32>
      %add3A_107 = arith.addf %add3A_106, %mul3A_104 : vector<16xf32>
      %mul3A_108 = arith.mulf %mul3A_90, %add3A_107 : vector<16xf32>
      %add3A_109 = arith.constant 1.000000e+00 : f32
      %add3A_110 = vector.broadcast %add3A_109 : f32 to vector<16xf32>
      %add3A_111 = arith.addf %add3A_110, %mul3A_108 : vector<16xf32>
      %mul3A_112 = arith.mulf %mul3A_93, %add3A_111 : vector<16xf32>
      %max3A = arith.constant 0.000000e+00 : f32
      %max3A_113 = vector.broadcast %max3A : f32 to vector<16xf32>
      %max3A_114 = arith.maximumf %get3A_68, %max3A_113 : vector<16xf32>
      %add3A_115 = arith.addf %max3A_114, %mul3A_112 : vector<16xf32>
      %mul3A_116 = arith.constant -1.702000e+00 : f32
      %mul3A_117 = vector.broadcast %mul3A_116 : f32 to vector<16xf32>
      %mul3A_118 = arith.mulf %mul3A_117, %add3A_115 : vector<16xf32>
      %sub3A = arith.subf %get3A_65, %get3A_71 : vector<16xf32>
      %mul3A_119 = arith.mulf %mul3A_118, %sub3A : vector<16xf32>
      %exp3A_120 = math.exp %mul3A_119 : vector<16xf32>
      %sub3A_121 = arith.constant 1.000000e+00 : f32
      %sub3A_122 = vector.broadcast %sub3A_121 : f32 to vector<16xf32>
      %sub3A_123 = arith.subf %sub3A_122, %div3A_81 : vector<16xf32>
      %add3A_124 = arith.constant 1.000000e+00 : f32
      %add3A_125 = vector.broadcast %add3A_124 : f32 to vector<16xf32>
      %add3A_126 = arith.addf %add3A_125, %exp3A_120 : vector<16xf32>
      %div3A_127 = arith.divf %sub3A_123, %add3A_126 : vector<16xf32>
      %add3A_128 = arith.addf %div3A_81, %div3A_127 : vector<16xf32>
      %swap3A = arith.index_cast %mul3A_63 : i32 to index
      %swap3A_129 = tpu.vector_load %arg15[%swap3A] {strides = array<i32>} : memref<512xf32, #tpu.memory_space<vmem>>, vector<16xf32>,
      %swap3A_130 = vector.shape_cast %swap3A_129 : vector<16xf32> to vector<16xf32>
      %swap3A_131 = vector.shape_cast %add3A_128 : vector<16xf32> to vector<16xf32>
      tpu.vector_store %arg15[%swap3A], %swap3A_131 {strides = array<i32>} : memref<512xf32, #tpu.memory_space<vmem>>, vector<16xf32>,
      %scan3A_132 = arith.constant 1 : i32
      %scan3A_133 = arith.addi %scan3A_61, %scan3A_132 : i32
      %mul3A_134 = arith.constant 16 : i32
      %mul3A_135 = arith.muli %scan3A_133, %mul3A_134 : i32
      %get3A_136 = arith.index_cast %mul3A_135 : i32 to index
      %get3A_137 = tpu.vector_load %arg11[%get3A_136] {strides = array<i32>} : memref<512xf32, #tpu.memory_space<vmem>>, vector<16xf32>,
      %get3A_138 = vector.shape_cast %get3A_137 : vector<16xf32> to vector<16xf32>
      %get3A_139 = arith.index_cast %mul3A_135 : i32 to index
      %get3A_140 = tpu.vector_load %arg12[%get3A_139] {strides = array<i32>} : memref<512xf32, #tpu.memory_space<vmem>>, vector<16xf32>,
      %get3A_141 = vector.shape_cast %get3A_140 : vector<16xf32> to vector<16xf32>
      %get3A_142 = arith.index_cast %mul3A_135 : i32 to index
      %get3A_143 = tpu.vector_load %arg13[%get3A_142] {strides = array<i32>} : memref<512xf32, #tpu.memory_space<vmem>>, vector<16xf32>,
      %get3A_144 = vector.shape_cast %get3A_143 : vector<16xf32> to vector<16xf32>
      %get3A_145 = arith.index_cast %mul3A_135 : i32 to index
      %get3A_146 = tpu.vector_load %arg14[%get3A_145] {strides = array<i32>} : memref<512xf32, #tpu.memory_space<vmem>>, vector<16xf32>,
      %get3A_147 = vector.shape_cast %get3A_146 : vector<16xf32> to vector<16xf32>
      %neg3A_148 = arith.constant 0.000000e+00 : f32
      %neg3A_149 = vector.broadcast %neg3A_148 : f32 to vector<16xf32>
      %neg3A_150 = arith.subf %neg3A_149, %get3A_147 : vector<16xf32>
      %exp3A_151 = math.exp %neg3A_150 : vector<16xf32>
      %add3A_152 = arith.constant 1.000000e+00 : f32
      %add3A_153 = vector.broadcast %add3A_152 : f32 to vector<16xf32>
      %add3A_154 = arith.addf %add3A_153, %exp3A_151 : vector<16xf32>
      %div3A_155 = arith.constant 1.000000e+00 : f32
      %div3A_156 = vector.broadcast %div3A_155 : f32 to vector<16xf32>
      %div3A_157 = arith.divf %div3A_156, %add3A_154 : vector<16xf32>
      %abs3A_158 = math.absf %get3A_141 : vector<16xf32>
      %neg3A_159 = arith.constant 0.000000e+00 : f32
      %neg3A_160 = vector.broadcast %neg3A_159 : f32 to vector<16xf32>
      %neg3A_161 = arith.subf %neg3A_160, %abs3A_158 : vector<16xf32>
      %exp3A_162 = math.exp %neg3A_161 : vector<16xf32>
      %add3A_163 = arith.constant 2.000000e+00 : f32
      %add3A_164 = vector.broadcast %add3A_163 : f32 to vector<16xf32>
      %add3A_165 = arith.addf %add3A_164, %exp3A_162 : vector<16xf32>
      %div3A_166 = arith.divf %exp3A_162, %add3A_165 : vector<16xf32>
      %mul3A_167 = arith.mulf %div3A_166, %div3A_166 : vector<16xf32>
      %mul3A_168 = arith.constant 2.000000e+00 : f32
      %mul3A_169 = vector.broadcast %mul3A_168 : f32 to vector<16xf32>
      %mul3A_170 = arith.mulf %mul3A_169, %div3A_166 : vector<16xf32>
      %mul3A_171 = arith.constant 0.111111112 : f32
      %mul3A_172 = vector.broadcast %mul3A_171 : f32 to vector<16xf32>
      %mul3A_173 = arith.mulf %mul3A_167, %mul3A_172 : vector<16xf32>
      %add3A_174 = arith.constant 0.142857149 : f32
      %add3A_175 = vector.broadcast %add3A_174 : f32 to vector<16xf32>
      %add3A_176 = arith.addf %add3A_175, %mul3A_173 : vector<16xf32>
      %mul3A_177 = arith.mulf %mul3A_167, %add3A_176 : vector<16xf32>
      %add3A_178 = arith.constant 2.000000e-01 : f32
      %add3A_179 = vector.broadcast %add3A_178 : f32 to vector<16xf32>
      %add3A_180 = arith.addf %add3A_179, %mul3A_177 : vector<16xf32>
      %mul3A_181 = arith.mulf %mul3A_167, %add3A_180 : vector<16xf32>
      %add3A_182 = arith.constant 0.333333343 : f32
      %add3A_183 = vector.broadcast %add3A_182 : f32 to vector<16xf32>
      %add3A_184 = arith.addf %add3A_183, %mul3A_181 : vector<16xf32>
      %mul3A_185 = arith.mulf %mul3A_167, %add3A_184 : vector<16xf32>
      %add3A_186 = arith.constant 1.000000e+00 : f32
      %add3A_187 = vector.broadcast %add3A_186 : f32 to vector<16xf32>
      %add3A_188 = arith.addf %add3A_187, %mul3A_185 : vector<16xf32>
      %mul3A_189 = arith.mulf %mul3A_170, %add3A_188 : vector<16xf32>
      %max3A_190 = arith.constant 0.000000e+00 : f32
      %max3A_191 = vector.broadcast %max3A_190 : f32 to vector<16xf32>
      %max3A_192 = arith.maximumf %get3A_141, %max3A_191 : vector<16xf32>
      %add3A_193 = arith.addf %max3A_192, %mul3A_189 : vector<16xf32>
      %mul3A_194 = arith.constant -1.702000e+00 : f32
      %mul3A_195 = vector.broadcast %mul3A_194 : f32 to vector<16xf32>
      %mul3A_196 = arith.mulf %mul3A_195, %add3A_193 : vector<16xf32>
      %sub3A_197 = arith.subf %get3A_138, %get3A_144 : vector<16xf32>
      %mul3A_198 = arith.mulf %mul3A_196, %sub3A_197 : vector<16xf32>
      %exp3A_199 = math.exp %mul3A_198 : vector<16xf32>
      %sub3A_200 = arith.constant 1.000000e+00 : f32
      %sub3A_201 = vector.broadcast %sub3A_200 : f32 to vector<16xf32>
      %sub3A_202 = arith.subf %sub3A_201, %div3A_157 : vector<16xf32>
      %add3A_203 = arith.constant 1.000000e+00 : f32
      %add3A_204 = vector.broadcast %add3A_203 : f32 to vector<16xf32>
      %add3A_205 = arith.addf %add3A_204, %exp3A_199 : vector<16xf32>
      %div3A_206 = arith.divf %sub3A_202, %add3A_205 : vector<16xf32>
      %add3A_207 = arith.addf %div3A_157, %div3A_206 : vector<16xf32>
      %swap3A_208 = arith.index_cast %mul3A_135 : i32 to index
      %swap3A_209 = tpu.vector_load %arg15[%swap3A_208] {strides = array<i32>} : memref<512xf32, #tpu.memory_space<vmem>>, vector<16xf32>,
      %swap3A_210 = vector.shape_cast %swap3A_209 : vector<16xf32> to vector<16xf32>
      %swap3A_211 = vector.shape_cast %add3A_207 : vector<16xf32> to vector<16xf32>
      tpu.vector_store %arg15[%swap3A_208], %swap3A_211 {strides = array<i32>} : memref<512xf32, #tpu.memory_space<vmem>>, vector<16xf32>,
      %scan3A_212 = arith.constant 2 : i32
      %scan3A_213 = arith.addi %scan3A_61, %scan3A_212 : i32
      %mul3A_214 = arith.constant 16 : i32
      %mul3A_215 = arith.muli %scan3A_213, %mul3A_214 : i32
      %get3A_216 = arith.index_cast %mul3A_215 : i32 to index
      %get3A_217 = tpu.vector_load %arg11[%get3A_216] {strides = array<i32>} : memref<512xf32, #tpu.memory_space<vmem>>, vector<16xf32>,
      %get3A_218 = vector.shape_cast %get3A_217 : vector<16xf32> to vector<16xf32>
      %get3A_219 = arith.index_cast %mul3A_215 : i32 to index
      %get3A_220 = tpu.vector_load %arg12[%get3A_219] {strides = array<i32>} : memref<512xf32, #tpu.memory_space<vmem>>, vector<16xf32>,
      %get3A_221 = vector.shape_cast %get3A_220 : vector<16xf32> to vector<16xf32>
      %get3A_222 = arith.index_cast %mul3A_215 : i32 to index
      %get3A_223 = tpu.vector_load %arg13[%get3A_222] {strides = array<i32>} : memref<512xf32, #tpu.memory_space<vmem>>, vector<16xf32>,
      %get3A_224 = vector.shape_cast %get3A_223 : vector<16xf32> to vector<16xf32>
      %get3A_225 = arith.index_cast %mul3A_215 : i32 to index
      %get3A_226 = tpu.vector_load %arg14[%get3A_225] {strides = array<i32>} : memref<512xf32, #tpu.memory_space<vmem>>, vector<16xf32>,
      %get3A_227 = vector.shape_cast %get3A_226 : vector<16xf32> to vector<16xf32>
      %neg3A_228 = arith.constant 0.000000e+00 : f32
      %neg3A_229 = vector.broadcast %neg3A_228 : f32 to vector<16xf32>
      %neg3A_230 = arith.subf %neg3A_229, %get3A_227 : vector<16xf32>
      %exp3A_231 = math.exp %neg3A_230 : vector<16xf32>
      %add3A_232 = arith.constant 1.000000e+00 : f32
      %add3A_233 = vector.broadcast %add3A_232 : f32 to vector<16xf32>
      %add3A_234 = arith.addf %add3A_233, %exp3A_231 : vector<16xf32>
      %div3A_235 = arith.constant 1.000000e+00 : f32
      %div3A_236 = vector.broadcast %div3A_235 : f32 to vector<16xf32>
      %div3A_237 = arith.divf %div3A_236, %add3A_234 : vector<16xf32>
      %abs3A_238 = math.absf %get3A_221 : vector<16xf32>
      %neg3A_239 = arith.constant 0.000000e+00 : f32
      %neg3A_240 = vector.broadcast %neg3A_239 : f32 to vector<16xf32>
      %neg3A_241 = arith.subf %neg3A_240, %abs3A_238 : vector<16xf32>
      %exp3A_242 = math.exp %neg3A_241 : vector<16xf32>
      %add3A_243 = arith.constant 2.000000e+00 : f32
      %add3A_244 = vector.broadcast %add3A_243 : f32 to vector<16xf32>
      %add3A_245 = arith.addf %add3A_244, %exp3A_242 : vector<16xf32>
      %div3A_246 = arith.divf %exp3A_242, %add3A_245 : vector<16xf32>
      %mul3A_247 = arith.mulf %div3A_246, %div3A_246 : vector<16xf32>
      %mul3A_248 = arith.constant 2.000000e+00 : f32
      %mul3A_249 = vector.broadcast %mul3A_248 : f32 to vector<16xf32>
      %mul3A_250 = arith.mulf %mul3A_249, %div3A_246 : vector<16xf32>
      %mul3A_251 = arith.constant 0.111111112 : f32
      %mul3A_252 = vector.broadcast %mul3A_251 : f32 to vector<16xf32>
      %mul3A_253 = arith.mulf %mul3A_247, %mul3A_252 : vector<16xf32>
      %add3A_254 = arith.constant 0.142857149 : f32
      %add3A_255 = vector.broadcast %add3A_254 : f32 to vector<16xf32>
      %add3A_256 = arith.addf %add3A_255, %mul3A_253 : vector<16xf32>
      %mul3A_257 = arith.mulf %mul3A_247, %add3A_256 : vector<16xf32>
      %add3A_258 = arith.constant 2.000000e-01 : f32
      %add3A_259 = vector.broadcast %add3A_258 : f32 to vector<16xf32>
      %add3A_260 = arith.addf %add3A_259, %mul3A_257 : vector<16xf32>
      %mul3A_261 = arith.mulf %mul3A_247, %add3A_260 : vector<16xf32>
      %add3A_262 = arith.constant 0.333333343 : f32
      %add3A_263 = vector.broadcast %add3A_262 : f32 to vector<16xf32>
      %add3A_264 = arith.addf %add3A_263, %mul3A_261 : vector<16xf32>
      %mul3A_265 = arith.mulf %mul3A_247, %add3A_264 : vector<16xf32>
      %add3A_266 = arith.constant 1.000000e+00 : f32
      %add3A_267 = vector.broadcast %add3A_266 : f32 to vector<16xf32>
      %add3A_268 = arith.addf %add3A_267, %mul3A_265 : vector<16xf32>
      %mul3A_269 = arith.mulf %mul3A_250, %add3A_268 : vector<16xf32>
      %max3A_270 = arith.constant 0.000000e+00 : f32
      %max3A_271 = vector.broadcast %max3A_270 : f32 to vector<16xf32>
      %max3A_272 = arith.maximumf %get3A_221, %max3A_271 : vector<16xf32>
      %add3A_273 = arith.addf %max3A_272, %mul3A_269 : vector<16xf32>
      %mul3A_274 = arith.constant -1.702000e+00 : f32
      %mul3A_275 = vector.broadcast %mul3A_274 : f32 to vector<16xf32>
      %mul3A_276 = arith.mulf %mul3A_275, %add3A_273 : vector<16xf32>
      %sub3A_277 = arith.subf %get3A_218, %get3A_224 : vector<16xf32>
      %mul3A_278 = arith.mulf %mul3A_276, %sub3A_277 : vector<16xf32>
      %exp3A_279 = math.exp %mul3A_278 : vector<16xf32>
      %sub3A_280 = arith.constant 1.000000e+00 : f32
      %sub3A_281 = vector.broadcast %sub3A_280 : f32 to vector<16xf32>
      %sub3A_282 = arith.subf %sub3A_281, %div3A_237 : vector<16xf32>
      %add3A_283 = arith.constant 1.000000e+00 : f32
      %add3A_284 = vector.broadcast %add3A_283 : f32 to vector<16xf32>
      %add3A_285 = arith.addf %add3A_284, %exp3A_279 : vector<16xf32>
      %div3A_286 = arith.divf %sub3A_282, %add3A_285 : vector<16xf32>
      %add3A_287 = arith.addf %div3A_237, %div3A_286 : vector<16xf32>
      %swap3A_288 = arith.index_cast %mul3A_215 : i32 to index
      %swap3A_289 = tpu.vector_load %arg15[%swap3A_288] {strides = array<i32>} : memref<512xf32, #tpu.memory_space<vmem>>, vector<16xf32>,
      %swap3A_290 = vector.shape_cast %swap3A_289 : vector<16xf32> to vector<16xf32>
      %swap3A_291 = vector.shape_cast %add3A_287 : vector<16xf32> to vector<16xf32>
      tpu.vector_store %arg15[%swap3A_288], %swap3A_291 {strides = array<i32>} : memref<512xf32, #tpu.memory_space<vmem>>, vector<16xf32>,
      %scan3A_292 = arith.constant 3 : i32
      %scan3A_293 = arith.addi %scan3A_61, %scan3A_292 : i32
      %mul3A_294 = arith.constant 16 : i32
      %mul3A_295 = arith.muli %scan3A_293, %mul3A_294 : i32
      %get3A_296 = arith.index_cast %mul3A_295 : i32 to index
      %get3A_297 = tpu.vector_load %arg11[%get3A_296] {strides = array<i32>} : memref<512xf32, #tpu.memory_space<vmem>>, vector<16xf32>,
      %get3A_298 = vector.shape_cast %get3A_297 : vector<16xf32> to vector<16xf32>
      %get3A_299 = arith.index_cast %mul3A_295 : i32 to index
      %get3A_300 = tpu.vector_load %arg12[%get3A_299] {strides = array<i32>} : memref<512xf32, #tpu.memory_space<vmem>>, vector<16xf32>,
      %get3A_301 = vector.shape_cast %get3A_300 : vector<16xf32> to vector<16xf32>
      %get3A_302 = arith.index_cast %mul3A_295 : i32 to index
      %get3A_303 = tpu.vector_load %arg13[%get3A_302] {strides = array<i32>} : memref<512xf32, #tpu.memory_space<vmem>>, vector<16xf32>,
      %get3A_304 = vector.shape_cast %get3A_303 : vector<16xf32> to vector<16xf32>
      %get3A_305 = arith.index_cast %mul3A_295 : i32 to index
      %get3A_306 = tpu.vector_load %arg14[%get3A_305] {strides = array<i32>} : memref<512xf32, #tpu.memory_space<vmem>>, vector<16xf32>,
      %get3A_307 = vector.shape_cast %get3A_306 : vector<16xf32> to vector<16xf32>
      %neg3A_308 = arith.constant 0.000000e+00 : f32
      %neg3A_309 = vector.broadcast %neg3A_308 : f32 to vector<16xf32>
      %neg3A_310 = arith.subf %neg3A_309, %get3A_307 : vector<16xf32>
      %exp3A_311 = math.exp %neg3A_310 : vector<16xf32>
      %add3A_312 = arith.constant 1.000000e+00 : f32
      %add3A_313 = vector.broadcast %add3A_312 : f32 to vector<16xf32>
      %add3A_314 = arith.addf %add3A_313, %exp3A_311 : vector<16xf32>
      %div3A_315 = arith.constant 1.000000e+00 : f32
      %div3A_316 = vector.broadcast %div3A_315 : f32 to vector<16xf32>
      %div3A_317 = arith.divf %div3A_316, %add3A_314 : vector<16xf32>
      %abs3A_318 = math.absf %get3A_301 : vector<16xf32>
      %neg3A_319 = arith.constant 0.000000e+00 : f32
      %neg3A_320 = vector.broadcast %neg3A_319 : f32 to vector<16xf32>
      %neg3A_321 = arith.subf %neg3A_320, %abs3A_318 : vector<16xf32>
      %exp3A_322 = math.exp %neg3A_321 : vector<16xf32>
      %add3A_323 = arith.constant 2.000000e+00 : f32
      %add3A_324 = vector.broadcast %add3A_323 : f32 to vector<16xf32>
      %add3A_325 = arith.addf %add3A_324, %exp3A_322 : vector<16xf32>
      %div3A_326 = arith.divf %exp3A_322, %add3A_325 : vector<16xf32>
      %mul3A_327 = arith.mulf %div3A_326, %div3A_326 : vector<16xf32>
      %mul3A_328 = arith.constant 2.000000e+00 : f32
      %mul3A_329 = vector.broadcast %mul3A_328 : f32 to vector<16xf32>
      %mul3A_330 = arith.mulf %mul3A_329, %div3A_326 : vector<16xf32>
      %mul3A_331 = arith.constant 0.111111112 : f32
      %mul3A_332 = vector.broadcast %mul3A_331 : f32 to vector<16xf32>
      %mul3A_333 = arith.mulf %mul3A_327, %mul3A_332 : vector<16xf32>
      %add3A_334 = arith.constant 0.142857149 : f32
      %add3A_335 = vector.broadcast %add3A_334 : f32 to vector<16xf32>
      %add3A_336 = arith.addf %add3A_335, %mul3A_333 : vector<16xf32>
      %mul3A_337 = arith.mulf %mul3A_327, %add3A_336 : vector<16xf32>
      %add3A_338 = arith.constant 2.000000e-01 : f32
      %add3A_339 = vector.broadcast %add3A_338 : f32 to vector<16xf32>
      %add3A_340 = arith.addf %add3A_339, %mul3A_337 : vector<16xf32>
      %mul3A_341 = arith.mulf %mul3A_327, %add3A_340 : vector<16xf32>
      %add3A_342 = arith.constant 0.333333343 : f32
      %add3A_343 = vector.broadcast %add3A_342 : f32 to vector<16xf32>
      %add3A_344 = arith.addf %add3A_343, %mul3A_341 : vector<16xf32>
      %mul3A_345 = arith.mulf %mul3A_327, %add3A_344 : vector<16xf32>
      %add3A_346 = arith.constant 1.000000e+00 : f32
      %add3A_347 = vector.broadcast %add3A_346 : f32 to vector<16xf32>
      %add3A_348 = arith.addf %add3A_347, %mul3A_345 : vector<16xf32>
      %mul3A_349 = arith.mulf %mul3A_330, %add3A_348 : vector<16xf32>
      %max3A_350 = arith.constant 0.000000e+00 : f32
      %max3A_351 = vector.broadcast %max3A_350 : f32 to vector<16xf32>
      %max3A_352 = arith.maximumf %get3A_301, %max3A_351 : vector<16xf32>
      %add3A_353 = arith.addf %max3A_352, %mul3A_349 : vector<16xf32>
      %mul3A_354 = arith.constant -1.702000e+00 : f32
      %mul3A_355 = vector.broadcast %mul3A_354 : f32 to vector<16xf32>
      %mul3A_356 = arith.mulf %mul3A_355, %add3A_353 : vector<16xf32>
      %sub3A_357 = arith.subf %get3A_298, %get3A_304 : vector<16xf32>
      %mul3A_358 = arith.mulf %mul3A_356, %sub3A_357 : vector<16xf32>
      %exp3A_359 = math.exp %mul3A_358 : vector<16xf32>
      %sub3A_360 = arith.constant 1.000000e+00 : f32
      %sub3A_361 = vector.broadcast %sub3A_360 : f32 to vector<16xf32>
      %sub3A_362 = arith.subf %sub3A_361, %div3A_317 : vector<16xf32>
      %add3A_363 = arith.constant 1.000000e+00 : f32
      %add3A_364 = vector.broadcast %add3A_363 : f32 to vector<16xf32>
      %add3A_365 = arith.addf %add3A_364, %exp3A_359 : vector<16xf32>
      %div3A_366 = arith.divf %sub3A_362, %add3A_365 : vector<16xf32>
      %add3A_367 = arith.addf %div3A_317, %div3A_366 : vector<16xf32>
      %swap3A_368 = arith.index_cast %mul3A_295 : i32 to index
      %swap3A_369 = tpu.vector_load %arg15[%swap3A_368] {strides = array<i32>} : memref<512xf32, #tpu.memory_space<vmem>>, vector<16xf32>,
      %swap3A_370 = vector.shape_cast %swap3A_369 : vector<16xf32> to vector<16xf32>
      %swap3A_371 = vector.shape_cast %add3A_367 : vector<16xf32> to vector<16xf32>
      tpu.vector_store %arg15[%swap3A_368], %swap3A_371 {strides = array<i32>} : memref<512xf32, #tpu.memory_space<vmem>>, vector<16xf32>,
    }
    %scan3A_60 = arith.constant 32 : i32
    "tpu.region"() ({
      %run_scoped3A = tpu.sem_alloc : memref<!tpu.dma_semaphore, #tpu.memory_space<semaphore_mem>>
      %dma_start3A_61 = tpu.memref_slice %arg8[%mul3A_2] : memref<16384xf32, #tpu.memory_space<hbm>> -> memref<512xf32, #tpu.memory_space<hbm>>
      %dma_start3A_62 = tpu.memref_slice %arg8[%mul3A_2] : memref<16384xf32, #tpu.memory_space<hbm>> -> memref<512xf32, #tpu.memory_space<hbm>>
      tpu.enqueue_dma source(%arg15 : memref<512xf32, #tpu.memory_space<vmem>>) target(%dma_start3A_62 : memref<512xf32, #tpu.memory_space<hbm>>) target_semaphore(%run_scoped3A : memref<!tpu.dma_semaphore, #tpu.memory_space<semaphore_mem>>)
      %dma_wait3A_63 = tpu.memref_slice %arg8[%mul3A_2] : memref<16384xf32, #tpu.memory_space<hbm>> -> memref<512xf32, #tpu.memory_space<hbm>>
      %dma_wait3A_64 = tpu.memref_slice %arg8[%mul3A_2] : memref<16384xf32, #tpu.memory_space<hbm>> -> memref<512xf32, #tpu.memory_space<hbm>>
      tpu.wait_dma2 semaphore(%run_scoped3A : memref<!tpu.dma_semaphore, #tpu.memory_space<semaphore_mem>>) src(%arg15 : memref<512xf32, #tpu.memory_space<vmem>>) dst(%dma_wait3A_64 : memref<512xf32, #tpu.memory_space<hbm>>)
      tpu.yield
    }) : () -> ()
    return
  }
}

</mosaic_0001>

<sc_bundles>
// kernel: kernel.3.cloned.1.call-start
scs
__scs_entry_jumppad:
0x0: {  	(pc) =	sbr.rel $0x88, $3  }
0x1: {  	(tag) =	ssettag $0x0;
	lr =	simm.s32 $0x1  }
0x2: {  	[smem:$0x3F9B] =	sst lr;
	_ =	strace $0xD0000000  }
0x3: {  	_ = 	snop  }
0x4: {  	_ = 	snop  }
0x5: {  	_ = 	snop  }
0x6: {  	_ = 	snop  }
0x7: {  	_ = 	snop  }
__scs_overlays_trampoline_lowered:
0x8: {  	[smem:$0x3FAA] =	sst s0  }
0x9: {  	[smem:$0x3FAB] =	sst s1  }
0xa: {  	[smem:$0x3FAC] =	sst s2  }
0xb: {  	[smem:$0x3FAD] =	sst s3  }
0xc: {  	[smem:$0x3FAE] =	sst s4  }
0xd: {  	[smem:$0x3FAF] =	sst s5  }
0xe: {  	[smem:$0x3FB0] =	sst s6  }
0xf: {  	[smem:$0x3FB1] =	sst s7  }
0x10: {  	[smem:$0x3FB2] =	sst s8  }
0x11: {  	[smem:$0x3FB3] =	sst s9;
	s0 =	simm.s32 @!p0 $0x0  }
0x12: {  	s1 =	sld [smem:$0x3F99];
	s0 =	simm.s32 @p0 $0x1  }
0x13: {  	[smem:$0x3FB4] =	sst s0;
	s0 =	simm.s32 @!p1 $0x0  }
0x14: {  	s2 =	sld [smem:$0x3F98];
	s0 =	simm.s32 @p1 $0x1  }
0x15: {  	[smem:$0x3FB5] =	sst s0;
	s0 =	simm.s32 @!p2 $0x0  }
0x16: {  	s3 =	sld [smem:$0x3FDB];
	s0 =	simm.s32 @p2 $0x1  }
0x17: {  	s4 =	simm.s32 $0x1BF5;
	[smem:$0x3FB7] =	sst s0  }
0x18: {  	s0 =	sld [smem:$0x3F9A];
	_ =	swait.ge [sflag:s4], $0x0  }
0x19: {  	s7 =	sld [smem:$0x3F9B]  }
0x1a: {  	s8 =	sadd.s32 $0xFFFFE003, lr  }
0x1b: {  	s9 =	sadd.s32 $0xFFFFFEF7, lr;
	s5 =	simm.s32 $0xFFFFFFFF;
	p2 =	slt.u32 s8, $0xFFFFF086  }
0x1c: {  	p1 =	slt.u32 s9, $0xF7A;
	s5 =	simm.s32 @!p2 $0x0  }
0x1d: {  	s5 =	simm.s32 @p1 $0x1;
	p0 =	seq.s32 s7, s2  }
0x1e: {  	s7 =	smul.u32 @!p0 $0xF7A, s2;
	p2 =	seq.s32 @!p0 s5, $0x0  }
0x1f: {  	s9 =	smul.u32 $0xF7A, s1;
	s8 =	simm.s32 @!p0 $0x1BF5;
	p2 =	por !p2, p0  }
0x20: {  	[sflag:s8] =	ssyncset.s32 @!p0 $0xFFFFF086;
	s6 =	sadd.s32 @!p0 s3, s7;
	s7 =	simm.s32 @!p0 $0x108  }
0x21: {  	s3 =	sadd.s32 s3, s9;
	s6 =	sadd.s32 @!p0 $0x88, s6;
	s7 =	simm.s32 @p2 $0x1082  }
0x22: {  	[simem:s7], [sflag:s8] =	dma.local @!p0 [hbm:s6], $0xF7A  }
0x23: {  	s9 =	sor.u32 $0xD0000000, s2;
	s6 =	simm.s32 $0x108;
	_ =	swait.ge @!p0 [sflag:s8], $0x0  }
0x24: {  	s3 =	sadd.s32 $0x88, s3;
	s6 =	simm.s32 @!p1 $0x1082;
	[sflag:s4] =	ssyncset.s32 $0xFFFFF086  }
0x25: {  	[simem:s6], [sflag:s4] =	dma.local [hbm:s3], $0xF7A  }
0x26: {  	[smem:$0x3F9B] =	sst s1;
	(tag) =	ssettag s2;
	_ =	strace s9  }
0x27: {  	s1 =	sld [smem:$0x3FAB]  }
0x28: {  	s2 =	sld [smem:$0x3FAC]  }
0x29: {  	s4 =	sld [smem:$0x3FAE]  }
0x2a: {  	p0 =	seq.s32 s5, $0x0;
	s5 =	sld [smem:$0x3FAF]  }
0x2b: {  	s6 =	sld [smem:$0x3FB0]  }
0x2c: {  	s7 =	sld [smem:$0x3FB1]  }
0x2d: {  	s3 =	simm.s32 $0x108;
	s8 =	sld [smem:$0x3FB2]  }
0x2e: {  	s3 =	simm.s32 @!p0 $0x1082;
	s9 =	sld [smem:$0x3FB3]  }
0x2f: {  	lr =	sadd.s32 s0, s3;
	s0 =	sld [smem:$0x3FAA]  }
0x30: {  	s3 =	sld [smem:$0x3FAD]  }
0x31: {  	[smem:$0x3FB6] =	sst s10  }
0x32: {  	s10 =	sld [smem:$0x3FB4];
	_ =	sdelay $0x3  }
0x33: {  	p0 =	seq.s32 s10, $0x1;
	s10 =	sld [smem:$0x3FB6];
	_ =	sdelay $0x3  }
0x34: {  	[smem:$0x3FB6] =	sst s10  }
0x35: {  	s10 =	sld [smem:$0x3FB5];
	_ =	sdelay $0x3  }
0x36: {  	p1 =	seq.s32 s10, $0x1;
	s10 =	sld [smem:$0x3FB6];
	_ =	sdelay $0x3  }
0x37: {  	[smem:$0x3FB6] =	sst s10  }
0x38: {  	s10 =	sld [smem:$0x3FB7]  }
0x39: {  	_ = 	snop;
	(pc) =	sbr.ind lr, $3  }
0x3a: {  	_ = 	snop  }
0x3b: {  	_ = 	snop  }
0x3c: {  	p2 =	seq.s32 s10, $0x1;
	s10 =	sld [smem:$0x3FB6]  }
0x3d: {  	_ =	shalt  }
0x3e: {  	_ =	shalt  }
0x3f: {  	_ =	shalt  }
0x40: {  	_ =	shalt  }
0x41: {  	_ =	shalt  }
0x42: {  	_ =	shalt  }
0x43: {  	_ =	shalt  }
0x44: {  	_ =	shalt  }
0x45: {  	_ =	shalt  }
0x46: {  	_ =	shalt  }
0x47: {  	_ =	shalt  }
0x48: {  	_ =	shalt  }
0x49: {  	_ =	shalt  }
0x4a: {  	_ =	shalt  }
0x4b: {  	_ =	shalt  }
0x4c: {  	_ =	shalt  }
0x4d: {  	_ =	shalt  }
0x4e: {  	_ =	shalt  }
0x4f: {  	_ =	shalt  }
0x50: {  	_ =	shalt  }
0x51: {  	_ =	shalt  }
0x52: {  	_ =	shalt  }
0x53: {  	_ =	shalt  }
0x54: {  	_ =	shalt  }
0x55: {  	_ =	shalt  }
0x56: {  	_ =	shalt  }
0x57: {  	_ =	shalt  }
0x58: {  	_ =	shalt  }
0x59: {  	_ =	shalt  }
0x5a: {  	_ =	shalt  }
0x5b: {  	_ =	shalt  }
0x5c: {  	_ =	shalt  }
0x5d: {  	_ =	shalt  }
0x5e: {  	_ =	shalt  }
0x5f: {  	_ =	shalt  }
0x60: {  	_ =	shalt  }
0x61: {  	_ =	shalt  }
0x62: {  	_ =	shalt  }
0x63: {  	_ =	shalt  }
0x64: {  	_ =	shalt  }
0x65: {  	_ =	shalt  }
0x66: {  	_ =	shalt  }
0x67: {  	_ =	shalt  }
0x68: {  	_ =	shalt  }
0x69: {  	_ =	shalt  }
0x6a: {  	_ =	shalt  }
0x6b: {  	_ =	shalt  }
0x6c: {  	_ =	shalt  }
0x6d: {  	_ =	shalt  }
0x6e: {  	_ =	shalt  }
0x6f: {  	_ =	shalt  }
0x70: {  	_ =	shalt  }
0x71: {  	_ =	shalt  }
0x72: {  	_ =	shalt  }
0x73: {  	_ =	shalt  }
0x74: {  	_ =	shalt  }
0x75: {  	_ =	shalt  }
0x76: {  	_ =	shalt  }
0x77: {  	_ =	shalt  }
0x78: {  	_ =	shalt  }
0x79: {  	_ =	shalt  }
0x7a: {  	_ =	shalt  }
0x7b: {  	_ =	shalt  }
0x7c: {  	_ =	shalt  }
0x7d: {  	_ =	shalt  }
0x7e: {  	_ =	shalt  }
0x7f: {  	_ =	shalt  }
0x80: {  	_ =	shalt  }
0x81: {  	_ =	shalt  }
0x82: {  	_ =	shalt  }
0x83: {  	_ =	shalt  }
0x84: {  	_ =	shalt  }
0x85: {  	_ =	shalt  }
0x86: {  	_ =	shalt  }
0x87: {  	_ =	shalt  }
.Lfunc_end0:
.L_simem_size_0:
called_computation_lowered:
.L_overlay_start_0:
0x88: {  	s2 =	sld [smem:$0x3FD9]  }
0x89: {  	s3 =	sld [smem:$0x3FFE];
	_ =	sdelay $0x1  }
0x8a: {  	s1 =	srdreg.scid  }
0x8b: {  	s0 =	sand.u32 $0x1, s1  }
0x8c: {  	s18 =	sshll.u32 s0, $0xA;
	s2 =	sadd.s32 s3, s2  }
0x8d: {  	s2 =	sadd.s32 s2, s18  }
0x8e: {  	[smem:$0x3FC2] =	sst s2  }
0x8f: {  	_ = 	snop  }
0x90: {  	s2 =	sld [smem:$0x3FC9]  }
0x91: {  	s19 =	sld [smem:$0x3FC8]  }
0x92: {  	s4 =	sld [smem:$0x3FC7]  }
0x93: {  	s5 =	sld [smem:$0x3FC6]  }
0x94: {  	s6 =	sld [smem:$0x3FC5]  }
0x95: {  	s7 =	sld [smem:$0x3FC4]  }
0x96: {  	s8 =	sld [smem:$0x3FD0];
	(tm) =	ssettm $0x1  }
0x97: {  	s9 =	sld [smem:$0x3FFB];
	_ =	sdelay $0x3  }
0x98: {  	_ =	strace s9  }
0x99: {  	s9 =	sld [smem:$0x3FFC];
	_ =	sdelay $0x3  }
0x9a: {  	_ =	strace s9  }
0x9b: {  	s9 =	sld [smem:$0x3FFD];
	_ =	sdelay $0x3  }
0x9c: {  	_ =	strace s9  }
0x9d: {  	_ =	strace $0x8FFFFFFF  }
0x9e: {  	s20 =	sld [smem:$0x3FDB];
	_ =	sdelay $0x1  }
0x9f: {  	s10 =	simm.s32 $_scs_section_size  }
0xa0: {  	s11 =	simm.s32 $_size__tile_overlayer_lowered;
	s12 =	simm.s32 $_tile_overlayer_lowered  }
0xa1: {  	s23 =	simm.s32 $0x1BFF;
	s22 =	sshll.u32 s12, $0x1;
	s9 =	sadd.s32 s10, s20  }
0xa2: {  	s13 =	simm.s32 $0x0;
	s21 =	sshll.u32 s11, $0x1;
	s11 =	sadd.s32 s22, s9  }
0xa3: {  	[timem:s13], [sflag:s23] =	dma.local [hbm:s11], s21  }
0xa4: {  	_ =	swait.ge [sflag:s23], s21  }
0xa5: {  	s10 =	ssub.s32 $0x0, s21;
	[sflag:s23] =	ssyncset.done $0x0  }
0xa6: {  	[sflag:s23] =	ssyncadd.s32 s10;
	_ =	sdelay $0x1  }
0xa7: {  	s24 =	simm.s32 $0x1B8B  }
0xa8: {  	_ =	swait.ge [sflag:s24], $0x1  }
0xa9: {  	[sflag:s24] =	ssyncset.done $0x0  }
0xaa: {  	s25 =	simm.s32 $0x1B8E;
	[sflag:s24] =	ssyncadd.s32 $0xFFFFFFFF  }
0xab: {  	s26 =	simm.s32 $execute0_lowered;
	[smem:$0x3FD2] =	sst s25  }
0xac: {  	s10 =	sshll.u32 s26, $0x1;
	_ =	strace $0x80000046;
	[dreg:$0x1] =	wrdreg $0xFFFFFFFF  }
0xad: {  	s28 =	simm.s32 $_size_execute0_lowered;
	s9 =	sadd.s32 s9, s10;
	[dreg:$0x0] =	wrdreg $0x0  }
0xae: {  	s10 =	sshll.u32 s28, $0x1;
	[dreg:$0x2] =	wrdreg s9  }
0xaf: {  	[dreg:$0x3] =	wrdreg s10  }
0xb0: {  	[dreg:$0x4] =	wrdreg $0xC0  }
0xb1: {  	_ =	task [dreg:s13], $0x5FFFF  }
0xb2: {  	[dreg:$0x1] =	wrdreg $0xFFFFFFFF  }
0xb3: {  	[dreg:$0x0] =	wrdreg $0x60  }
0xb4: {  	[dreg:$0x2] =	wrdreg s2  }
0xb5: {  	[dreg:$0x3] =	wrdreg s19  }
0xb6: {  	[dreg:$0x4] =	wrdreg s4  }
0xb7: {  	[dreg:$0x5] =	wrdreg s5  }
0xb8: {  	[dreg:$0x6] =	wrdreg s6  }
0xb9: {  	[dreg:$0x7] =	wrdreg s7  }
0xba: {  	[dreg:$0x8] =	wrdreg s8  }
0xbb: {  	[dreg:$0x9] =	wrdreg $0x9  }
0xbc: {  	_ =	task.clear_ibuf [dreg:s13], $0xAFFFF;
	_ =	strace $0x90000046  }
0xbd: {  	s29 =	simm.s32 $0x9;
	_ =	strace $0x80000048  }
0xbe: {  	_ =	swait.ge [sflag:s29], $0x1  }
0xbf: {  	[sflag:s29] =	ssyncadd.s32 $0xFFFFFFFF  }
0xc0: {  	_ =	strace $0x90000048  }
0xc1: {  	_ =	sfence  }
0xc2: {  	s30 =	sld [smem:$0x0];
	_ =	sdelay $0x2  }
0xc3: {  	s31 =	sshll.u32 s1, $0xD;
	s1 =	sshrl.u32 s1, $0x2  }
0xc4: {  	s3 =	sand.u32 $0x4000, s31;
	s1 =	sadd.s32 s1, s30  }
0xc5: {  	s0 =	sor.u32 s3, s0;
	s1 =	sshll.u32 s1, $0x11  }
0xc6: {  	s0 =	sor.u32 s1, s0  }
0xc7: {  	s0 =	sadd.s32 $0x8F2B, s0  }
0xc8: {  	[sflag:s0] =	ssyncadd.remote.s32 $0x1  }
0xc9: {  	_ =	sfence.sel $0xFFFF  }
0xca: {  	[dreg:$0x0] =	wrdreg $0xFFFFFFFF;
	(pc) =	sbr.abs _section_cstart, $3  }
0xcb: {  	[dreg:$0x1] =	wrdreg $0xFFFFFFFF  }
0xcc: {  	_ =	task.clear_ibuf [dreg:s13], $0x2FFFF;
	_ =	strace $0x9FFFFFFF  }
0xcd: {  	(tm) =	ssettm $0x7FFFFFFF  }
tec
execute0_lowered:
.L_overlay_start_1:
0x0: {  	(tag) =	ssettag $0x1  }
0x1: {  	s7 =	rddreg [dreg:$0x0]  }
0x2: {  	s8 =	rddreg [dreg:$0x1]  }
0x3: {  	s1 =	rddreg [dreg:$0x2]  }
0x4: {  	s2 =	rddreg [dreg:$0x3]  }
0x5: {  	s3 =	rddreg [dreg:$0x4]  }
0x6: {  	s4 =	rddreg [dreg:$0x5]  }
0x7: {  	s9 =	rddreg [dreg:$0x6];
	s5 =	srdreg.scid  }
0x8: {  	s0 =	rddreg [dreg:$0x7];
	s6 =	simm.s32 $0x0;
	s14 =	simm.s32 $0x800  }
0x9: {  	s15 =	simm.s32 $0xA00;
	s16 =	simm.s32 $0x5;
	s17 =	simm.s32 $0x400  }
0xa: {  	s18 =	simm.s32 $0x2;
	s19 =	simm.s32 $0x3;
	s20 =	simm.s32 $0x4  }
0xb: {  	s21 =	simm.s32 $0x1;
	s22 =	simm.s32 $0xC00;
	s23 =	simm.s32 $0x7  }
0xc: {  	s24 =	simm.s32 $0x0;
	s10 =	sand.u32 $0x1, s5;
	s5 =	stileid.u32  }
0xd: {  	[smem:$0x7FF] =	sst s6;
	s11 =	ssub.s32 $0x2, s10;
	s13 =	sshll.u32 s5, $0x7  }
0xe: {  	s10 =	sshll.u32 s10, $0x6;
	_ =	strace $0x80000047;
	s12 =	sshrl.u32 s11, $0x1  }
0xf: {  	s10 =	sor.u32 s10, s13;
	s13 =	simm.s32 $0x600;
	s11 =	ssub.s32 s11, s12  }
0x10: {  	s7 =	sadd.s32 s7, s10;
	s8 =	sadd.s32 s8, s10;
	s9 =	sadd.s32 s9, s10  }
0x11: {  	s12 =	simm.s32 $0x6;
	s10 =	smax.u32 s11, $0x1;
	s11 =	simm.s32 $0x200  }
.LBB2_1:
0x12: {  	[tilespmem:s6], [sflag:$0x5] =	stream.linear.gather [hbm4b:s7+s6], $0x200, $0x38;
	[tilespmem:$0xE00] =	vst v63  }
0x13: {  	_ = 	snop  }
0x14: {  	[tilespmem:s11], [sflag:$0x6] =	stream.linear.gather [hbm4b:s8+s6], $0x200, $0x38;
	[tilespmem:$0xE00] =	vst v63  }
0x15: {  	_ =	swait.ge [sflag:s12], $0x200  }
0x16: {  	[sflag:s12] =	ssyncset.done $0x0  }
0x17: {  	[sflag:s12] =	ssyncadd.s32 $0xFFFFFE00  }
0x18: {  	[tilespmem:s13], [sflag:$0x2] =	stream.indirect.gather [hbm4b:s2+s11], $0x1, s11, s11, $0xb8;
	[tilespmem:$0xE00] =	vst v63  }
0x19: {  	_ = 	snop  }
0x1a: {  	[tilespmem:s14], [sflag:$0x3] =	stream.indirect.gather [hbm4b:s3+s11], $0x1, s11, s11, $0xb8;
	[tilespmem:$0xE00] =	vst v63  }
0x1b: {  	_ = 	snop  }
0x1c: {  	[tilespmem:s15], [sflag:$0x4] =	stream.indirect.gather [hbm4b:s4+s11], $0x1, s11, s11, $0xb8;
	[tilespmem:$0xE00] =	vst v63  }
0x1d: {  	_ =	swait.ge [sflag:s16], $0x200  }
0x1e: {  	[sflag:s16] =	ssyncset.done $0x0  }
0x1f: {  	[sflag:s16] =	ssyncadd.s32 $0xFFFFFE00  }
0x20: {  	[tilespmem:s17], [sflag:$0x1] =	stream.indirect.gather [hbm4b:s1+s11], $0x1, s6, s11, $0xb8;
	[tilespmem:$0xE00] =	vst v63  }
0x21: {  	_ =	swait.ge [sflag:s18], $0x200  }
0x22: {  	[sflag:s18] =	ssyncset.done $0x0  }
0x23: {  	[sflag:s18] =	ssyncadd.s32 $0xFFFFFE00  }
0x24: {  	_ =	swait.ge [sflag:s19], $0x200  }
0x25: {  	[sflag:s19] =	ssyncset.done $0x0  }
0x26: {  	[sflag:s19] =	ssyncadd.s32 $0xFFFFFE00  }
0x27: {  	_ =	swait.ge [sflag:s20], $0x200  }
0x28: {  	[sflag:s20] =	ssyncset.done $0x0  }
0x29: {  	[sflag:s20] =	ssyncadd.s32 $0xFFFFFE00  }
0x2a: {  	s25 =	simm.s32 $0xFFFFFFFC;
	s26 =	simm.s32 $0xC20;
	_ =	swait.ge [sflag:s21], $0x200  }
0x2b: {  	s28 =	simm.s32 $0xA20;
	s29 =	simm.s32 $0x820;
	[sflag:s21] =	ssyncset.done $0x0  }
0x2c: {  	s30 =	simm.s32 $0x620;
	s31 =	simm.s32 $0x420;
	[sflag:s21] =	ssyncadd.s32 $0xFFFFFE00  }
.LBB2_2:
0x2d: {  	v0 =	vld [tilespmem:s28+$0xFFFFFFE0];
	_ =	sdelay $0x4  }
0x2e: {  	v0 =	vsub.f32 $0.0e+00, v0;
	_ =	sdelay $0x1  }
0x2f: {  	v0 =	vmul.f32 $1.442695020e+00, v0;
	_ =	sdelay $0x1  }
0x30: {  	(erf) = vpow2.f32 v0;
	_ =	sdelay $0x2  }
0x31: {  	v21 =	vld [tilespmem:s30+$0xFFFFFFE0];
	_ =	sdelay $0x4  }
0x32: {  	v1 =	vand.u32 $0x7FFFFFFF, v21  }
0x33: {  	v1 =	vsub.f32 $0.0e+00, v1;
	v2 =	vpop (erf)  }
0x34: {  	v2 =	vadd.f32 $1.000000000e+00, v2  }
0x35: {  	v1 =	vmul.f32 $1.442695020e+00, v1  }
0x36: {  	(erf) = vrcp.f32 v2  }
0x37: {  	(erf) = vpow2.f32 v1;
	_ =	sdelay $0x7  }
0x38: {  	v22 =	vpop (erf)  }
0x39: {  	v23 =	vpop (erf)  }
0x3a: {  	v3 =	vadd.f32 $2.000000000e+00, v23;
	_ =	sdelay $0x1  }
0x3b: {  	(erf) = vrcp.f32 v3;
	_ =	sdelay $0x8  }
0x3c: {  	v3 =	vpop (erf)  }
0x3d: {  	v2 =	vmul.f32 v3, v23;
	_ =	sdelay $0x1  }
0x3e: {  	v3 =	vmul.f32 v2, v2;
	_ =	sdelay $0x1  }
0x3f: {  	v4 =	vmul.f32 $1.111111120e-01, v3;
	_ =	sdelay $0x1  }
0x40: {  	v4 =	vadd.f32 $1.428571490e-01, v4;
	_ =	sdelay $0x1  }
0x41: {  	v4 =	vmul.f32 v4, v3;
	_ =	sdelay $0x1  }
0x42: {  	v4 =	vadd.f32 $2.000000030e-01, v4;
	_ =	sdelay $0x1  }
0x43: {  	v4 =	vmul.f32 v4, v3;
	_ =	sdelay $0x1  }
0x44: {  	v4 =	vadd.f32 $3.333333430e-01, v4;
	_ =	sdelay $0x1  }
0x45: {  	v3 =	vmul.f32 v4, v3;
	_ =	sdelay $0x1  }
0x46: {  	v24 =	vld [tilespmem:s31+$0xFFFFFFE0];
	v2 =	vadd.f32 v2, v2;
	v3 =	vadd.f32 $1.000000000e+00, v3  }
0x47: {  	v5 =	vld [tilespmem:s29+$0xFFFFFFE0]  }
0x48: {  	v2 =	vmul.f32 v3, v2  }
0x49: {  	v0 =	vmax.f32 v21, $0.0e+00  }
0x4a: {  	v0 =	vadd.f32 v2, v0;
	_ =	sdelay $0x1  }
0x4b: {  	v25 =	vsub.f32 v24, v5;
	v0 =	vmul.f32 $-1.702000020e+00, v0;
	_ =	sdelay $0x1  }
0x4c: {  	v0 =	vmul.f32 v0, v25;
	_ =	sdelay $0x1  }
0x4d: {  	v0 =	vmul.f32 $1.442695020e+00, v0;
	_ =	sdelay $0x1  }
0x4e: {  	(erf) = vpow2.f32 v0;
	_ =	sdelay $0x8  }
0x4f: {  	v0 =	vpop (erf)  }
0x50: {  	v0 =	vadd.f32 $1.000000000e+00, v0;
	_ =	sdelay $0x1  }
0x51: {  	(erf) = vrcp.f32 v0;
	_ =	sdelay $0x7  }
0x52: {  	v26 =	vsub.f32 $1.000000000e+00, v22  }
0x53: {  	v27 =	vpop (erf)  }
0x54: {  	v0 =	vmul.f32 v27, v26;
	_ =	sdelay $0x1  }
0x55: {  	v0 =	vadd.f32 v0, v22;
	_ =	sdelay $0x1  }
0x56: {  	[tilespmem:s26+$0xFFFFFFE0] =	vst v0  }
0x57: {  	v0 =	vld [tilespmem:s28+$0xFFFFFFF0];
	_ =	sdelay $0x4  }
0x58: {  	v0 =	vsub.f32 $0.0e+00, v0;
	_ =	sdelay $0x1  }
0x59: {  	v0 =	vmul.f32 $1.442695020e+00, v0;
	_ =	sdelay $0x1  }
0x5a: {  	(erf) = vpow2.f32 v0;
	_ =	sdelay $0x2  }
0x5b: {  	v28 =	vld [tilespmem:s30+$0xFFFFFFF0];
	_ =	sdelay $0x4  }
0x5c: {  	v29 =	vand.u32 $0x7FFFFFFF, v28  }
0x5d: {  	v1 =	vsub.f32 $0.0e+00, v29;
	v30 =	vpop (erf)  }
0x5e: {  	v2 =	vadd.f32 $1.000000000e+00, v30  }
0x5f: {  	v1 =	vmul.f32 $1.442695020e+00, v1  }
0x60: {  	(erf) = vrcp.f32 v2  }
0x61: {  	(erf) = vpow2.f32 v1;
	_ =	sdelay $0x7  }
0x62: {  	v31 =	vpop (erf)  }
0x63: {  	v32 =	vpop (erf)  }
0x64: {  	v33 =	vadd.f32 $2.000000000e+00, v32;
	_ =	sdelay $0x1  }
0x65: {  	(erf) = vrcp.f32 v33;
	_ =	sdelay $0x8  }
0x66: {  	v3 =	vpop (erf)  }
0x67: {  	v2 =	vmul.f32 v3, v32;
	_ =	sdelay $0x1  }
0x68: {  	v3 =	vmul.f32 v2, v2;
	_ =	sdelay $0x1  }
0x69: {  	v34 =	vmul.f32 $1.111111120e-01, v3;
	_ =	sdelay $0x1  }
0x6a: {  	v4 =	vadd.f32 $1.428571490e-01, v34;
	_ =	sdelay $0x1  }
0x6b: {  	v4 =	vmul.f32 v4, v3;
	_ =	sdelay $0x1  }
0x6c: {  	v4 =	vadd.f32 $2.000000030e-01, v4;
	_ =	sdelay $0x1  }
0x6d: {  	v4 =	vmul.f32 v4, v3;
	_ =	sdelay $0x1  }
0x6e: {  	v4 =	vadd.f32 $3.333333430e-01, v4;
	_ =	sdelay $0x1  }
0x6f: {  	v3 =	vmul.f32 v4, v3;
	_ =	sdelay $0x1  }
0x70: {  	v35 =	vld [tilespmem:s31+$0xFFFFFFF0];
	v2 =	vadd.f32 v2, v2;
	v3 =	vadd.f32 $1.000000000e+00, v3  }
0x71: {  	v36 =	vld [tilespmem:s29+$0xFFFFFFF0]  }
0x72: {  	v2 =	vmul.f32 v3, v2  }
0x73: {  	v0 =	vmax.f32 v28, $0.0e+00  }
0x74: {  	v0 =	vadd.f32 v2, v0;
	_ =	sdelay $0x1  }
0x75: {  	v37 =	vsub.f32 v35, v36;
	v0 =	vmul.f32 $-1.702000020e+00, v0;
	_ =	sdelay $0x1  }
0x76: {  	v0 =	vmul.f32 v0, v37;
	_ =	sdelay $0x1  }
0x77: {  	v0 =	vmul.f32 $1.442695020e+00, v0;
	_ =	sdelay $0x1  }
0x78: {  	(erf) = vpow2.f32 v0;
	_ =	sdelay $0x8  }
0x79: {  	v0 =	vpop (erf)  }
0x7a: {  	v0 =	vadd.f32 $1.000000000e+00, v0;
	_ =	sdelay $0x1  }
0x7b: {  	(erf) = vrcp.f32 v0;
	_ =	sdelay $0x7  }
0x7c: {  	v38 =	vsub.f32 $1.000000000e+00, v31  }
0x7d: {  	v39 =	vpop (erf)  }
0x7e: {  	v0 =	vmul.f32 v39, v38;
	_ =	sdelay $0x1  }
0x7f: {  	v0 =	vadd.f32 v0, v31;
	_ =	sdelay $0x1  }
0x80: {  	[tilespmem:s26+$0xFFFFFFF0] =	vst v0  }
0x81: {  	v0 =	vld [tilespmem:s28+$0x0];
	_ =	sdelay $0x4  }
0x82: {  	v0 =	vsub.f32 $0.0e+00, v0;
	_ =	sdelay $0x1  }
0x83: {  	v0 =	vmul.f32 $1.442695020e+00, v0;
	_ =	sdelay $0x1  }
0x84: {  	(erf) = vpow2.f32 v0;
	_ =	sdelay $0x2  }
0x85: {  	v40 =	vld [tilespmem:s30+$0x0];
	_ =	sdelay $0x4  }
0x86: {  	v41 =	vand.u32 $0x7FFFFFFF, v40  }
0x87: {  	v1 =	vsub.f32 $0.0e+00, v41;
	v42 =	vpop (erf)  }
0x88: {  	v2 =	vadd.f32 $1.000000000e+00, v42  }
0x89: {  	v1 =	vmul.f32 $1.442695020e+00, v1  }
0x8a: {  	(erf) = vrcp.f32 v2  }
0x8b: {  	(erf) = vpow2.f32 v1;
	_ =	sdelay $0x7  }
0x8c: {  	v43 =	vpop (erf)  }
0x8d: {  	v44 =	vpop (erf)  }
0x8e: {  	v45 =	vadd.f32 $2.000000000e+00, v44;
	_ =	sdelay $0x1  }
0x8f: {  	(erf) = vrcp.f32 v45;
	_ =	sdelay $0x8  }
0x90: {  	v3 =	vpop (erf)  }
0x91: {  	v2 =	vmul.f32 v3, v44;
	_ =	sdelay $0x1  }
0x92: {  	v3 =	vmul.f32 v2, v2;
	_ =	sdelay $0x1  }
0x93: {  	v46 =	vmul.f32 $1.111111120e-01, v3;
	_ =	sdelay $0x1  }
0x94: {  	v4 =	vadd.f32 $1.428571490e-01, v46;
	_ =	sdelay $0x1  }
0x95: {  	v4 =	vmul.f32 v4, v3;
	_ =	sdelay $0x1  }
0x96: {  	v4 =	vadd.f32 $2.000000030e-01, v4;
	_ =	sdelay $0x1  }
0x97: {  	v4 =	vmul.f32 v4, v3;
	_ =	sdelay $0x1  }
0x98: {  	v4 =	vadd.f32 $3.333333430e-01, v4;
	_ =	sdelay $0x1  }
0x99: {  	v3 =	vmul.f32 v4, v3;
	_ =	sdelay $0x1  }
0x9a: {  	v47 =	vld [tilespmem:s31+$0x0];
	v2 =	vadd.f32 v2, v2;
	v3 =	vadd.f32 $1.000000000e+00, v3  }
0x9b: {  	v48 =	vld [tilespmem:s29+$0x0]  }
0x9c: {  	v2 =	vmul.f32 v3, v2  }
0x9d: {  	v0 =	vmax.f32 v40, $0.0e+00  }
0x9e: {  	v0 =	vadd.f32 v2, v0;
	_ =	sdelay $0x1  }
0x9f: {  	v49 =	vsub.f32 v47, v48;
	v0 =	vmul.f32 $-1.702000020e+00, v0;
	_ =	sdelay $0x1  }
0xa0: {  	v0 =	vmul.f32 v0, v49;
	_ =	sdelay $0x1  }
0xa1: {  	v0 =	vmul.f32 $1.442695020e+00, v0;
	_ =	sdelay $0x1  }
0xa2: {  	(erf) = vpow2.f32 v0;
	_ =	sdelay $0x8  }
0xa3: {  	v0 =	vpop (erf)  }
0xa4: {  	v0 =	vadd.f32 $1.000000000e+00, v0;
	_ =	sdelay $0x1  }
0xa5: {  	(erf) = vrcp.f32 v0;
	_ =	sdelay $0x7  }
0xa6: {  	v50 =	vsub.f32 $1.000000000e+00, v43  }
0xa7: {  	v51 =	vpop (erf)  }
0xa8: {  	v0 =	vmul.f32 v51, v50;
	_ =	sdelay $0x1  }
0xa9: {  	v0 =	vadd.f32 v0, v43;
	_ =	sdelay $0x1  }
0xaa: {  	[tilespmem:s26+$0x0] =	vst v0  }
0xab: {  	v0 =	vld [tilespmem:s28+$0x10];
	_ =	sdelay $0x4  }
0xac: {  	v0 =	vsub.f32 $0.0e+00, v0;
	_ =	sdelay $0x1  }
0xad: {  	v0 =	vmul.f32 $1.442695020e+00, v0;
	_ =	sdelay $0x1  }
0xae: {  	(erf) = vpow2.f32 v0;
	_ =	sdelay $0x2  }
0xaf: {  	v52 =	vld [tilespmem:s30+$0x10];
	_ =	sdelay $0x4  }
0xb0: {  	v53 =	vand.u32 $0x7FFFFFFF, v52  }
0xb1: {  	v1 =	vsub.f32 $0.0e+00, v53;
	v54 =	vpop (erf)  }
0xb2: {  	v2 =	vadd.f32 $1.000000000e+00, v54  }
0xb3: {  	v1 =	vmul.f32 $1.442695020e+00, v1  }
0xb4: {  	(erf) = vrcp.f32 v2  }
0xb5: {  	(erf) = vpow2.f32 v1;
	_ =	sdelay $0x7  }
0xb6: {  	v55 =	vpop (erf)  }
0xb7: {  	v56 =	vpop (erf)  }
0xb8: {  	v57 =	vadd.f32 $2.000000000e+00, v56;
	_ =	sdelay $0x1  }
0xb9: {  	(erf) = vrcp.f32 v57;
	_ =	sdelay $0x8  }
0xba: {  	v3 =	vpop (erf)  }
0xbb: {  	v2 =	vmul.f32 v3, v56;
	_ =	sdelay $0x1  }
0xbc: {  	v3 =	vmul.f32 v2, v2;
	_ =	sdelay $0x1  }
0xbd: {  	v58 =	vmul.f32 $1.111111120e-01, v3;
	_ =	sdelay $0x1  }
0xbe: {  	v4 =	vadd.f32 $1.428571490e-01, v58;
	_ =	sdelay $0x1  }
0xbf: {  	v4 =	vmul.f32 v4, v3;
	_ =	sdelay $0x1  }
0xc0: {  	v4 =	vadd.f32 $2.000000030e-01, v4;
	_ =	sdelay $0x1  }
0xc1: {  	v4 =	vmul.f32 v4, v3;
	_ =	sdelay $0x1  }
0xc2: {  	v4 =	vadd.f32 $3.333333430e-01, v4;
	_ =	sdelay $0x1  }
0xc3: {  	v3 =	vmul.f32 v4, v3;
	_ =	sdelay $0x1  }
0xc4: {  	v59 =	vld [tilespmem:s31+$0x10];
	v2 =	vadd.f32 v2, v2;
	v3 =	vadd.f32 $1.000000000e+00, v3  }
0xc5: {  	v60 =	vld [tilespmem:s29+$0x10]  }
0xc6: {  	v2 =	vmul.f32 v3, v2  }
0xc7: {  	v0 =	vmax.f32 v52, $0.0e+00  }
0xc8: {  	v0 =	vadd.f32 v2, v0;
	_ =	sdelay $0x1  }
0xc9: {  	v61 =	vsub.f32 v59, v60;
	v0 =	vmul.f32 $-1.702000020e+00, v0;
	_ =	sdelay $0x1  }
0xca: {  	v0 =	vmul.f32 v0, v61;
	_ =	sdelay $0x1  }
0xcb: {  	v0 =	vmul.f32 $1.442695020e+00, v0;
	_ =	sdelay $0x1  }
0xcc: {  	(erf) = vpow2.f32 v0;
	_ =	sdelay $0x8  }
0xcd: {  	v0 =	vpop (erf)  }
0xce: {  	v0 =	vadd.f32 $1.000000000e+00, v0;
	_ =	sdelay $0x1  }
0xcf: {  	(erf) = vrcp.f32 v0;
	_ =	sdelay $0x7  }
0xd0: {  	s25 =	sadd.s32 $0x4, s25;
	v62 =	vsub.f32 $1.000000000e+00, v55  }
0xd1: {  	p0 =	slt.u32 s25, $0x1C;
	v63 =	vpop (erf)  }
.Ltmp0:
0xd2: {  	v0 =	vmul.f32 v63, v62;
	(pc) =	sbr.rel @p0 .LBB2_2-.Ltmp0, $4  }
0xd3: {  	_ = 	snop  }
0xd4: {  	v0 =	vadd.f32 v0, v55  }
0xd5: {  	s28 =	sadd.s32 $0x40, s28;
	s29 =	sadd.s32 $0x40, s29  }
0xd6: {  	s30 =	sadd.s32 $0x40, s30;
	s31 =	sadd.s32 $0x40, s31;
	[tilespmem:s26+$0x10] =	vst v0;
	s26 =	sadd.s32 $0x40, s26  }
0xd7: {  	s24 =	sadd.s32 $0x1, s24  }
0xd8: {  	p0 =	sne.s32 s24, s10  }
.Ltmp1:
0xd9: {  	_ = 	snop;
	(pc) =	sbr.rel @p0 .LBB2_1-.Ltmp1, $4  }
0xda: {  	[hbm4b:s9+s6] =	stream.linear.scatter [tilespmem:s22], [sflag:$0x7], $0x200, $0x38;
	[tilespmem:$0xE00] =	vst v63  }
0xdb: {  	_ =	swait.ge [sflag:s23], $0x200  }
0xdc: {  	[sflag:s23] =	ssyncset.done $0x0  }
0xdd: {  	[sflag:s23] =	ssyncadd.s32 $0xFFFFFE00  }
0xde: {  	_ =	sfence.sel $0x180000  }
0xdf: {  	[bflag:$0x0] =	sbarrier.arrive $0xFFFF  }
0xe0: {  	p0 =	sne.s32 s5, $0x0;
	_ =	strace $0x90000047  }
0xe1: {  	s0 =	sadd.s32 @!p0 $0x100000, s0;
	[bflag:$0x2] =	sbarrier.arrive $0xFFFF  }
0xe2: {  	[sflag:s0] =	ssyncadd.tile.s32 @!p0 $0x1;
	_ =	shalt  }
.Lfunc_end2:
_tile_overlayer_lowered:
.L_overlay_start_2:
0xe3: {  	(tag) =	ssettag $0x2  }
0xe4: {  	s0 =	rddreg [dreg:$0x0];
	s2 =	stileid.u32  }
0xe5: {  	s1 =	rddreg [dreg:$0x1];
	p0 =	sne.s32 s2, $0x0  }
0xe6: {  	s3 =	rddreg [dreg:$0x2];
	[bflag:$0x3] =	sbarrier.arrive $0xFFFF;
	s2 =	simm.s32 @!p0 $0x1C07  }
0xe7: {  	[timem:s3], [sflag:s2] =	dma.local @!p0 [hbm:s0], s1  }
0xe8: {  	s0 =	simm.s32 @!p0 $0x7  }
0xe9: {  	_ =	swait.ge @!p0 [sflag:s0], s1  }
0xea: {  	s1 =	ssub.s32 @!p0 $0x0, s1;
	[sflag:s0] =	ssyncset.done @!p0 $0x0  }
0xeb: {  	[sflag:s0] =	ssyncadd.s32 @!p0 s1  }
0xec: {  	[bflag:$0x3] =	sbarrier.arrive $0xFFFF  }
0xed: {  	_ =	shalt  }

</sc_bundles>
